<compile_context>
chip_gen: v7x
topology: tpu7x:2x2x1
jax: 0.10.2.dev20260603
libtpu: 0.0.44.dev20260713+nightly
codegen_flags: <defaults>
</compile_context>

<pallas_src>
import functools

import jax
import jax.numpy as jnp
from jax import lax
from jax.experimental import pallas as pl
from jax.experimental.pallas import tpu as pltpu
from jax.experimental.pallas import tpu_sc as plsc

BATCH = 16384
LIN_IN = 13
N_CATS = 26
EMB_DIM = 16
HIDDEN = 256
OUT = 6

CATS_PAD = 32
N_GROUPS = CATS_PAD // 8
NUM_IDX = BATCH * CATS_PAD
NUM_WORKERS = 32
ROWS_PER_W = NUM_IDX // NUM_WORKERS
N_CHUNKS = 4
CHUNK = ROWS_PER_W // N_CHUNKS


def _gather_body(table_hbm, idx_hbm, out_hbm, idx_v, rows_v, sem):
    wid = lax.axis_index("s") * 2 + lax.axis_index("c")
    base = wid * ROWS_PER_W
    pltpu.sync_copy(idx_hbm.at[pl.ds(base, ROWS_PER_W)], idx_v)
    for ci in range(N_CHUNKS):
        off = ci * CHUNK
        pltpu.async_copy(
            table_hbm.at[idx_v.at[pl.ds(off, CHUNK)]], rows_v, sem
        ).wait()
        pltpu.sync_copy(rows_v, out_hbm.at[pl.ds(base + off, CHUNK)])


@functools.cache
def _make_gather():
    return pl.kernel(
        _gather_body,
        out_type=jax.ShapeDtypeStruct((NUM_IDX, EMB_DIM), jnp.float32),
        scratch_types=[
            pltpu.VMEM((ROWS_PER_W,), jnp.int32),
            pltpu.VMEM((CHUNK, EMB_DIM), jnp.float32),
            pltpu.SemaphoreType.DMA,
        ],
        mesh=plsc.VectorSubcoreMesh(core_axis_name="c", subcore_axis_name="s"),
        compiler_params=pltpu.CompilerParams(use_tc_tiling_on_sc=False),
    )


BM = 1024


def _mlp_body(x1_ref, e_ref, w1a_ref, w1b_ref, b1_ref, w2_ref, b2_ref, o_ref):
    acc = jnp.dot(x1_ref[...], w1a_ref[...], preferred_element_type=jnp.float32)
    for g in range(N_GROUPS):
        acc += jnp.dot(e_ref[g], w1b_ref[g], preferred_element_type=jnp.float32)
    h = jnp.tanh(acc + b1_ref[...])
    o_ref[...] = (
        jnp.dot(h, w2_ref[...], preferred_element_type=jnp.float32) + b2_ref[...]
    )


def _mlp(x1, e4, w1a, w1b4, b1, w2, b2):
    grid = (BATCH // BM,)
    return pl.pallas_call(
        _mlp_body,
        grid=grid,
        in_specs=[
            pl.BlockSpec((BM, LIN_IN), lambda i: (i, 0)),
            pl.BlockSpec((N_GROUPS, BM, 128), lambda i: (0, i, 0)),
            pl.BlockSpec((LIN_IN, HIDDEN), lambda i: (0, 0)),
            pl.BlockSpec((N_GROUPS, 128, HIDDEN), lambda i: (0, 0, 0)),
            pl.BlockSpec((1, HIDDEN), lambda i: (0, 0)),
            pl.BlockSpec((HIDDEN, OUT), lambda i: (0, 0)),
            pl.BlockSpec((1, OUT), lambda i: (0, 0)),
        ],
        out_specs=pl.BlockSpec((BM, OUT), lambda i: (i, 0)),
        out_shape=jax.ShapeDtypeStruct((BATCH, OUT), jnp.float32),
    )(x1, e4, w1a, w1b4, b1, w2, b2)


def kernel(x1, x2, emb, W1, b1, W2, b2):
    idx = jnp.pad(x2.astype(jnp.int32), ((0, 0), (0, CATS_PAD - N_CATS)))
    idx = idx.reshape(BATCH, N_GROUPS, 8).transpose(1, 0, 2).reshape(-1)
    e = _make_gather()(emb, idx)
    e4 = e.reshape(N_GROUPS, BATCH, 128)
    w1b4 = jnp.pad(W1[LIN_IN:], ((0, 128 * N_GROUPS - N_CATS * EMB_DIM), (0, 0)))
    w1b4 = w1b4.reshape(N_GROUPS, 128, HIDDEN)
    return _mlp(
        x1,
        e4,
        W1[:LIN_IN],
        w1b4,
        b1.reshape(1, HIDDEN),
        W2,
        b2.reshape(1, OUT),
    )

# --- scband reference (transcript-rebuilt; emitter-appended) ---
"""Pipeline reference for scband-net-24137716204280 (READ-ONLY COPY).

The authoritative reference and input builder live on the scoring server;
editing this copy changes nothing except your own understanding.
"""

import jax, jax.numpy as jnp
import numpy as np

BATCH = 16384
LIN_IN = 13
VOCAB = 1000000
N_CATS = 26
EMB_DIM = 16
HIDDEN = 256
OUT = 6


def setup_inputs(seed: int = 0) -> dict:
    key = jax.random.key(seed)
    k1, k2, k3, k4, k5, k6, k7 = jax.random.split(key, 7)
    x1 = jax.random.normal(k1, (BATCH, LIN_IN), dtype=jnp.float32)
    x2 = jax.random.randint(k2, (BATCH, N_CATS), 0, VOCAB, dtype=jnp.int64)
    emb = jax.random.normal(k3, (VOCAB, EMB_DIM), dtype=jnp.float32)
    fan_in1 = LIN_IN + EMB_DIM * N_CATS
    lim1 = 1.0 / np.sqrt(fan_in1)
    W1 = jax.random.uniform(k4, (fan_in1, HIDDEN), minval=-lim1, maxval=lim1, dtype=jnp.float32)
    b1 = jax.random.uniform(k5, (HIDDEN,), minval=-lim1, maxval=lim1, dtype=jnp.float32)
    lim2 = 1.0 / np.sqrt(HIDDEN)
    W2 = jax.random.uniform(k6, (HIDDEN, OUT), minval=-lim2, maxval=lim2, dtype=jnp.float32)
    b2 = jax.random.uniform(k7, (OUT,), minval=-lim2, maxval=lim2, dtype=jnp.float32)
    return {"x1": x1, "x2": x2, "emb": emb, "W1": W1, "b1": b1, "W2": W2, "b2": b2}


def reference(x1, x2, emb, W1, b1, W2, b2):
    # Embedding lookup: [B, N_CATS] -> [B, N_CATS, EMB_DIM]
    e = jnp.take(emb, x2, axis=0)
    batch_size = e.shape[0]
    e = e.reshape(batch_size, -1)
    x3 = jnp.concatenate([x1, e], axis=1)
    h = jnp.tanh(x3 @ W1 + b1)
    out = h @ W2 + b2
    return out

if __name__ == "__main__":
    import jax
    _d = setup_inputs()
    print(jax.jit(kernel)(*tuple(_d.values())))

</pallas_src>

<mosaic_0001>
#map = affine_map<(d0, d1) -> (0, 0)>
#map1 = affine_map<(d0, d1) -> (0)>
module attributes {stable_mosaic.version = 14 : i64} {
  func.func @_gather_body(%arg0: i32, %arg1: i32, %arg2: memref<1000000x16xf32, #tpu.memory_space<hbm>>, %arg3: memref<524288xi32, #tpu.memory_space<hbm>>, %arg4: memref<524288x16xf32, #tpu.memory_space<hbm>>, %arg5: memref<16384xi32, #tpu.memory_space<vmem>>, %arg6: memref<4096x16xf32, #tpu.memory_space<vmem>>, %arg7: memref<!tpu.dma_semaphore, #tpu.memory_space<semaphore_mem>>) attributes {dimension_semantics = [#tpu.dimension_semantics<core_parallel>, #tpu.dimension_semantics<subcore_parallel>], iteration_bounds = array<i64: 2, 16>, scalar_prefetch = 0 : i64, scratch_operands = 3 : i64, tpu.core_type = #tpu.core_type<sc_vector_subcore>, window_params = [{transform_indices = #map}, {transform_indices = #map1}, {transform_indices = #map}]} {
    %mul3A = arith.constant 2 : i32
    %mul3A_0 = arith.muli %arg1, %mul3A : i32
    %add3A = arith.addi %mul3A_0, %arg0 : i32
    %mul3A_1 = arith.constant 16384 : i32
    %mul3A_2 = arith.muli %add3A, %mul3A_1 : i32
    "tpu.region"() ({
      %run_scoped3A = tpu.sem_alloc : memref<!tpu.dma_semaphore, #tpu.memory_space<semaphore_mem>>
      %dma_start3A_49 = tpu.memref_slice %arg3[%mul3A_2] : memref<524288xi32, #tpu.memory_space<hbm>> -> memref<16384xi32, #tpu.memory_space<hbm>>
      %dma_start3A_50 = tpu.memref_slice %arg3[%mul3A_2] : memref<524288xi32, #tpu.memory_space<hbm>> -> memref<16384xi32, #tpu.memory_space<hbm>>
      tpu.enqueue_dma source(%dma_start3A_50 : memref<16384xi32, #tpu.memory_space<hbm>>) target(%arg5 : memref<16384xi32, #tpu.memory_space<vmem>>) target_semaphore(%run_scoped3A : memref<!tpu.dma_semaphore, #tpu.memory_space<semaphore_mem>>)
      %dma_wait3A_51 = tpu.memref_slice %arg3[%mul3A_2] : memref<524288xi32, #tpu.memory_space<hbm>> -> memref<16384xi32, #tpu.memory_space<hbm>>
      %dma_wait3A_52 = tpu.memref_slice %arg3[%mul3A_2] : memref<524288xi32, #tpu.memory_space<hbm>> -> memref<16384xi32, #tpu.memory_space<hbm>>
      tpu.wait_dma2 semaphore(%run_scoped3A : memref<!tpu.dma_semaphore, #tpu.memory_space<semaphore_mem>>) src(%dma_wait3A_52 : memref<16384xi32, #tpu.memory_space<hbm>>) dst(%arg5 : memref<16384xi32, #tpu.memory_space<vmem>>)
      tpu.yield
    }) : () -> ()
    %dma_start3A = arith.constant 0 : i32
    %dma_start3A_3 = tpu.memref_slice %arg5[%dma_start3A] : memref<16384xi32, #tpu.memory_space<vmem>> -> memref<4096xi32, #tpu.memory_space<vmem>>
    %dma_start3A_4 = arith.constant 0 : i32
    %dma_start3A_5 = arith.constant 0 : i32
    %dma_start3A_6 = tpu.memref_slice %arg2[%dma_start3A_4, %dma_start3A_5] : memref<1000000x16xf32, #tpu.memory_space<hbm>> -> memref<1000000x16xf32, #tpu.memory_space<hbm>>
    tpu.enqueue_indirect_dma source(%dma_start3A_6 : memref<1000000x16xf32, #tpu.memory_space<hbm>>) target(%arg6 : memref<4096x16xf32, #tpu.memory_space<vmem>>) offsets(%dma_start3A_3 : memref<4096xi32, #tpu.memory_space<vmem>>) semaphore(%arg7 : memref<!tpu.dma_semaphore, #tpu.memory_space<semaphore_mem>>)
    %dma_wait3A = arith.constant 0 : i32
    %dma_wait3A_7 = tpu.memref_slice %arg5[%dma_wait3A] : memref<16384xi32, #tpu.memory_space<vmem>> -> memref<4096xi32, #tpu.memory_space<vmem>>
    %dma_wait3A_8 = arith.constant 0 : i32
    %dma_wait3A_9 = arith.constant 0 : i32
    %dma_wait3A_10 = tpu.memref_slice %arg2[%dma_wait3A_8, %dma_wait3A_9] : memref<1000000x16xf32, #tpu.memory_space<hbm>> -> memref<1000000x16xf32, #tpu.memory_space<hbm>>
    tpu.wait_indirect_dma semaphore(%arg7 : memref<!tpu.dma_semaphore, #tpu.memory_space<semaphore_mem>>) src(%dma_wait3A_10 : memref<1000000x16xf32, #tpu.memory_space<hbm>>) dst(%arg6 : memref<4096x16xf32, #tpu.memory_space<vmem>>)
    %add3A_11 = arith.constant 0 : i32
    %add3A_12 = arith.addi %mul3A_2, %add3A_11 : i32
    "tpu.region"() ({
      %run_scoped3A = tpu.sem_alloc : memref<!tpu.dma_semaphore, #tpu.memory_space<semaphore_mem>>
      %dma_start3A_49 = arith.constant 0 : i32
      %dma_start3A_50 = tpu.memref_slice %arg4[%add3A_12, %dma_start3A_49] : memref<524288x16xf32, #tpu.memory_space<hbm>> -> memref<4096x16xf32, #tpu.memory_space<hbm>>
      %dma_start3A_51 = arith.constant 0 : i32
      %dma_start3A_52 = tpu.memref_slice %arg4[%add3A_12, %dma_start3A_51] : memref<524288x16xf32, #tpu.memory_space<hbm>> -> memref<4096x16xf32, #tpu.memory_space<hbm>>
      tpu.enqueue_dma source(%arg6 : memref<4096x16xf32, #tpu.memory_space<vmem>>) target(%dma_start3A_52 : memref<4096x16xf32, #tpu.memory_space<hbm>>) target_semaphore(%run_scoped3A : memref<!tpu.dma_semaphore, #tpu.memory_space<semaphore_mem>>)
      %dma_wait3A_53 = arith.constant 0 : i32
      %dma_wait3A_54 = tpu.memref_slice %arg4[%add3A_12, %dma_wait3A_53] : memref<524288x16xf32, #tpu.memory_space<hbm>> -> memref<4096x16xf32, #tpu.memory_space<hbm>>
      %dma_wait3A_55 = arith.constant 0 : i32
      %dma_wait3A_56 = tpu.memref_slice %arg4[%add3A_12, %dma_wait3A_55] : memref<524288x16xf32, #tpu.memory_space<hbm>> -> memref<4096x16xf32, #tpu.memory_space<hbm>>
      tpu.wait_dma2 semaphore(%run_scoped3A : memref<!tpu.dma_semaphore, #tpu.memory_space<semaphore_mem>>) src(%arg6 : memref<4096x16xf32, #tpu.memory_space<vmem>>) dst(%dma_wait3A_56 : memref<4096x16xf32, #tpu.memory_space<hbm>>)
      tpu.yield
    }) : () -> ()
    %dma_start3A_13 = arith.constant 4096 : i32
    %dma_start3A_14 = tpu.memref_slice %arg5[%dma_start3A_13] : memref<16384xi32, #tpu.memory_space<vmem>> -> memref<4096xi32, #tpu.memory_space<vmem>>
    %dma_start3A_15 = arith.constant 0 : i32
    %dma_start3A_16 = arith.constant 0 : i32
    %dma_start3A_17 = tpu.memref_slice %arg2[%dma_start3A_15, %dma_start3A_16] : memref<1000000x16xf32, #tpu.memory_space<hbm>> -> memref<1000000x16xf32, #tpu.memory_space<hbm>>
    tpu.enqueue_indirect_dma source(%dma_start3A_17 : memref<1000000x16xf32, #tpu.memory_space<hbm>>) target(%arg6 : memref<4096x16xf32, #tpu.memory_space<vmem>>) offsets(%dma_start3A_14 : memref<4096xi32, #tpu.memory_space<vmem>>) semaphore(%arg7 : memref<!tpu.dma_semaphore, #tpu.memory_space<semaphore_mem>>)
    %dma_wait3A_18 = arith.constant 4096 : i32
    %dma_wait3A_19 = tpu.memref_slice %arg5[%dma_wait3A_18] : memref<16384xi32, #tpu.memory_space<vmem>> -> memref<4096xi32, #tpu.memory_space<vmem>>
    %dma_wait3A_20 = arith.constant 0 : i32
    %dma_wait3A_21 = arith.constant 0 : i32
    %dma_wait3A_22 = tpu.memref_slice %arg2[%dma_wait3A_20, %dma_wait3A_21] : memref<1000000x16xf32, #tpu.memory_space<hbm>> -> memref<1000000x16xf32, #tpu.memory_space<hbm>>
    tpu.wait_indirect_dma semaphore(%arg7 : memref<!tpu.dma_semaphore, #tpu.memory_space<semaphore_mem>>) src(%dma_wait3A_22 : memref<1000000x16xf32, #tpu.memory_space<hbm>>) dst(%arg6 : memref<4096x16xf32, #tpu.memory_space<vmem>>)
    %add3A_23 = arith.constant 4096 : i32
    %add3A_24 = arith.addi %mul3A_2, %add3A_23 : i32
    "tpu.region"() ({
      %run_scoped3A = tpu.sem_alloc : memref<!tpu.dma_semaphore, #tpu.memory_space<semaphore_mem>>
      %dma_start3A_49 = arith.constant 0 : i32
      %dma_start3A_50 = tpu.memref_slice %arg4[%add3A_24, %dma_start3A_49] : memref<524288x16xf32, #tpu.memory_space<hbm>> -> memref<4096x16xf32, #tpu.memory_space<hbm>>
      %dma_start3A_51 = arith.constant 0 : i32
      %dma_start3A_52 = tpu.memref_slice %arg4[%add3A_24, %dma_start3A_51] : memref<524288x16xf32, #tpu.memory_space<hbm>> -> memref<4096x16xf32, #tpu.memory_space<hbm>>
      tpu.enqueue_dma source(%arg6 : memref<4096x16xf32, #tpu.memory_space<vmem>>) target(%dma_start3A_52 : memref<4096x16xf32, #tpu.memory_space<hbm>>) target_semaphore(%run_scoped3A : memref<!tpu.dma_semaphore, #tpu.memory_space<semaphore_mem>>)
      %dma_wait3A_53 = arith.constant 0 : i32
      %dma_wait3A_54 = tpu.memref_slice %arg4[%add3A_24, %dma_wait3A_53] : memref<524288x16xf32, #tpu.memory_space<hbm>> -> memref<4096x16xf32, #tpu.memory_space<hbm>>
      %dma_wait3A_55 = arith.constant 0 : i32
      %dma_wait3A_56 = tpu.memref_slice %arg4[%add3A_24, %dma_wait3A_55] : memref<524288x16xf32, #tpu.memory_space<hbm>> -> memref<4096x16xf32, #tpu.memory_space<hbm>>
      tpu.wait_dma2 semaphore(%run_scoped3A : memref<!tpu.dma_semaphore, #tpu.memory_space<semaphore_mem>>) src(%arg6 : memref<4096x16xf32, #tpu.memory_space<vmem>>) dst(%dma_wait3A_56 : memref<4096x16xf32, #tpu.memory_space<hbm>>)
      tpu.yield
    }) : () -> ()
    %dma_start3A_25 = arith.constant 8192 : i32
    %dma_start3A_26 = tpu.memref_slice %arg5[%dma_start3A_25] : memref<16384xi32, #tpu.memory_space<vmem>> -> memref<4096xi32, #tpu.memory_space<vmem>>
    %dma_start3A_27 = arith.constant 0 : i32
    %dma_start3A_28 = arith.constant 0 : i32
    %dma_start3A_29 = tpu.memref_slice %arg2[%dma_start3A_27, %dma_start3A_28] : memref<1000000x16xf32, #tpu.memory_space<hbm>> -> memref<1000000x16xf32, #tpu.memory_space<hbm>>
    tpu.enqueue_indirect_dma source(%dma_start3A_29 : memref<1000000x16xf32, #tpu.memory_space<hbm>>) target(%arg6 : memref<4096x16xf32, #tpu.memory_space<vmem>>) offsets(%dma_start3A_26 : memref<4096xi32, #tpu.memory_space<vmem>>) semaphore(%arg7 : memref<!tpu.dma_semaphore, #tpu.memory_space<semaphore_mem>>)
    %dma_wait3A_30 = arith.constant 8192 : i32
    %dma_wait3A_31 = tpu.memref_slice %arg5[%dma_wait3A_30] : memref<16384xi32, #tpu.memory_space<vmem>> -> memref<4096xi32, #tpu.memory_space<vmem>>
    %dma_wait3A_32 = arith.constant 0 : i32
    %dma_wait3A_33 = arith.constant 0 : i32
    %dma_wait3A_34 = tpu.memref_slice %arg2[%dma_wait3A_32, %dma_wait3A_33] : memref<1000000x16xf32, #tpu.memory_space<hbm>> -> memref<1000000x16xf32, #tpu.memory_space<hbm>>
    tpu.wait_indirect_dma semaphore(%arg7 : memref<!tpu.dma_semaphore, #tpu.memory_space<semaphore_mem>>) src(%dma_wait3A_34 : memref<1000000x16xf32, #tpu.memory_space<hbm>>) dst(%arg6 : memref<4096x16xf32, #tpu.memory_space<vmem>>)
    %add3A_35 = arith.constant 8192 : i32
    %add3A_36 = arith.addi %mul3A_2, %add3A_35 : i32
    "tpu.region"() ({
      %run_scoped3A = tpu.sem_alloc : memref<!tpu.dma_semaphore, #tpu.memory_space<semaphore_mem>>
      %dma_start3A_49 = arith.constant 0 : i32
      %dma_start3A_50 = tpu.memref_slice %arg4[%add3A_36, %dma_start3A_49] : memref<524288x16xf32, #tpu.memory_space<hbm>> -> memref<4096x16xf32, #tpu.memory_space<hbm>>
      %dma_start3A_51 = arith.constant 0 : i32
      %dma_start3A_52 = tpu.memref_slice %arg4[%add3A_36, %dma_start3A_51] : memref<524288x16xf32, #tpu.memory_space<hbm>> -> memref<4096x16xf32, #tpu.memory_space<hbm>>
      tpu.enqueue_dma source(%arg6 : memref<4096x16xf32, #tpu.memory_space<vmem>>) target(%dma_start3A_52 : memref<4096x16xf32, #tpu.memory_space<hbm>>) target_semaphore(%run_scoped3A : memref<!tpu.dma_semaphore, #tpu.memory_space<semaphore_mem>>)
      %dma_wait3A_53 = arith.constant 0 : i32
      %dma_wait3A_54 = tpu.memref_slice %arg4[%add3A_36, %dma_wait3A_53] : memref<524288x16xf32, #tpu.memory_space<hbm>> -> memref<4096x16xf32, #tpu.memory_space<hbm>>
      %dma_wait3A_55 = arith.constant 0 : i32
      %dma_wait3A_56 = tpu.memref_slice %arg4[%add3A_36, %dma_wait3A_55] : memref<524288x16xf32, #tpu.memory_space<hbm>> -> memref<4096x16xf32, #tpu.memory_space<hbm>>
      tpu.wait_dma2 semaphore(%run_scoped3A : memref<!tpu.dma_semaphore, #tpu.memory_space<semaphore_mem>>) src(%arg6 : memref<4096x16xf32, #tpu.memory_space<vmem>>) dst(%dma_wait3A_56 : memref<4096x16xf32, #tpu.memory_space<hbm>>)
      tpu.yield
    }) : () -> ()
    %dma_start3A_37 = arith.constant 12288 : i32
    %dma_start3A_38 = tpu.memref_slice %arg5[%dma_start3A_37] : memref<16384xi32, #tpu.memory_space<vmem>> -> memref<4096xi32, #tpu.memory_space<vmem>>
    %dma_start3A_39 = arith.constant 0 : i32
    %dma_start3A_40 = arith.constant 0 : i32
    %dma_start3A_41 = tpu.memref_slice %arg2[%dma_start3A_39, %dma_start3A_40] : memref<1000000x16xf32, #tpu.memory_space<hbm>> -> memref<1000000x16xf32, #tpu.memory_space<hbm>>
    tpu.enqueue_indirect_dma source(%dma_start3A_41 : memref<1000000x16xf32, #tpu.memory_space<hbm>>) target(%arg6 : memref<4096x16xf32, #tpu.memory_space<vmem>>) offsets(%dma_start3A_38 : memref<4096xi32, #tpu.memory_space<vmem>>) semaphore(%arg7 : memref<!tpu.dma_semaphore, #tpu.memory_space<semaphore_mem>>)
    %dma_wait3A_42 = arith.constant 12288 : i32
    %dma_wait3A_43 = tpu.memref_slice %arg5[%dma_wait3A_42] : memref<16384xi32, #tpu.memory_space<vmem>> -> memref<4096xi32, #tpu.memory_space<vmem>>
    %dma_wait3A_44 = arith.constant 0 : i32
    %dma_wait3A_45 = arith.constant 0 : i32
    %dma_wait3A_46 = tpu.memref_slice %arg2[%dma_wait3A_44, %dma_wait3A_45] : memref<1000000x16xf32, #tpu.memory_space<hbm>> -> memref<1000000x16xf32, #tpu.memory_space<hbm>>
    tpu.wait_indirect_dma semaphore(%arg7 : memref<!tpu.dma_semaphore, #tpu.memory_space<semaphore_mem>>) src(%dma_wait3A_46 : memref<1000000x16xf32, #tpu.memory_space<hbm>>) dst(%arg6 : memref<4096x16xf32, #tpu.memory_space<vmem>>)
    %add3A_47 = arith.constant 12288 : i32
    %add3A_48 = arith.addi %mul3A_2, %add3A_47 : i32
    "tpu.region"() ({
      %run_scoped3A = tpu.sem_alloc : memref<!tpu.dma_semaphore, #tpu.memory_space<semaphore_mem>>
      %dma_start3A_49 = arith.constant 0 : i32
      %dma_start3A_50 = tpu.memref_slice %arg4[%add3A_48, %dma_start3A_49] : memref<524288x16xf32, #tpu.memory_space<hbm>> -> memref<4096x16xf32, #tpu.memory_space<hbm>>
      %dma_start3A_51 = arith.constant 0 : i32
      %dma_start3A_52 = tpu.memref_slice %arg4[%add3A_48, %dma_start3A_51] : memref<524288x16xf32, #tpu.memory_space<hbm>> -> memref<4096x16xf32, #tpu.memory_space<hbm>>
      tpu.enqueue_dma source(%arg6 : memref<4096x16xf32, #tpu.memory_space<vmem>>) target(%dma_start3A_52 : memref<4096x16xf32, #tpu.memory_space<hbm>>) target_semaphore(%run_scoped3A : memref<!tpu.dma_semaphore, #tpu.memory_space<semaphore_mem>>)
      %dma_wait3A_53 = arith.constant 0 : i32
      %dma_wait3A_54 = tpu.memref_slice %arg4[%add3A_48, %dma_wait3A_53] : memref<524288x16xf32, #tpu.memory_space<hbm>> -> memref<4096x16xf32, #tpu.memory_space<hbm>>
      %dma_wait3A_55 = arith.constant 0 : i32
      %dma_wait3A_56 = tpu.memref_slice %arg4[%add3A_48, %dma_wait3A_55] : memref<524288x16xf32, #tpu.memory_space<hbm>> -> memref<4096x16xf32, #tpu.memory_space<hbm>>
      tpu.wait_dma2 semaphore(%run_scoped3A : memref<!tpu.dma_semaphore, #tpu.memory_space<semaphore_mem>>) src(%arg6 : memref<4096x16xf32, #tpu.memory_space<vmem>>) dst(%dma_wait3A_56 : memref<4096x16xf32, #tpu.memory_space<hbm>>)
      tpu.yield
    }) : () -> ()
    return
  }
}

module attributes {stable_mosaic.version = 14 : i64} {
  func.func @_mlp_body(%arg0: i32, %arg1: memref<1024x13xf32, #tpu.memory_space<vmem>>, %arg2: memref<4x1024x128xf32, #tpu.memory_space<vmem>>, %arg3: memref<13x256xf32, #tpu.memory_space<vmem>>, %arg4: memref<4x128x256xf32, #tpu.memory_space<vmem>>, %arg5: memref<1x256xf32, #tpu.memory_space<vmem>>, %arg6: memref<256x6xf32, #tpu.memory_space<vmem>>, %arg7: memref<1x6xf32, #tpu.memory_space<vmem>>, %arg8: memref<1024x6xf32, #tpu.memory_space<vmem>>) attributes {dimension_semantics = [#tpu.dimension_semantics<arbitrary>], iteration_bounds = array<i64: 16>, scalar_prefetch = 0 : i64, scratch_operands = 0 : i64, tpu.core_type = #tpu.core_type<tc>, window_params = [{transform_indices = @transform_0, window_bounds = array<i64: 1024, 13>}, {transform_indices = @transform_1, window_bounds = array<i64: 4, 1024, 128>}, {pipeline_mode = #tpu.pipeline_mode<synchronous>, transform_indices = @transform_2, window_bounds = array<i64: 13, 256>}, {pipeline_mode = #tpu.pipeline_mode<synchronous>, transform_indices = @transform_3, window_bounds = array<i64: 4, 128, 256>}, {pipeline_mode = #tpu.pipeline_mode<synchronous>, transform_indices = @transform_4, window_bounds = array<i64: 1, 256>}, {pipeline_mode = #tpu.pipeline_mode<synchronous>, transform_indices = @transform_5, window_bounds = array<i64: 256, 6>}, {pipeline_mode = #tpu.pipeline_mode<synchronous>, transform_indices = @transform_6, window_bounds = array<i64: 1, 6>}, {transform_indices = @transform_7, window_bounds = array<i64: 1024, 6>}]} {
    %get3A = arith.constant 0 : index
    %get3A_0 = arith.constant 0 : index
    %get3A_1 = vector.load %arg1[%get3A, %get3A_0] : memref<1024x13xf32, #tpu.memory_space<vmem>>, vector<1024x13xf32>
    %get3A_2 = arith.constant 0 : index
    %get3A_3 = arith.constant 0 : index
    %get3A_4 = vector.load %arg3[%get3A_2, %get3A_3] : memref<13x256xf32, #tpu.memory_space<vmem>>, vector<13x256xf32>
    %dot_general3A = arith.constant dense<0.000000e+00> : vector<1024x256xf32>
    %dot_general3A_5 = tpu.matmul %get3A_1, %get3A_4, %dot_general3A {dimension_numbers = #tpu.dot_dimension_numbers<[1], [0], [0], [1], [0, 0, 1, 1], [], []>, transpose_lhs_hint = false} : vector<1024x13xf32>, vector<13x256xf32>, vector<1024x256xf32> -> vector<1024x256xf32>
    %get3A_6 = arith.constant 0 : index
    %get3A_7 = arith.constant 0 : index
    %get3A_8 = arith.constant 0 : index
    %get3A_9 = vector.load %arg2[%get3A_6, %get3A_7, %get3A_8] : memref<4x1024x128xf32, #tpu.memory_space<vmem>>, vector<1x1024x128xf32>
    %get3A_10 = vector.shape_cast %get3A_9 : vector<1x1024x128xf32> to vector<1024x128xf32>
    %get3A_11 = arith.constant 0 : index
    %get3A_12 = arith.constant 0 : index
    %get3A_13 = arith.constant 0 : index
    %get3A_14 = vector.load %arg4[%get3A_11, %get3A_12, %get3A_13] : memref<4x128x256xf32, #tpu.memory_space<vmem>>, vector<1x128x256xf32>
    %get3A_15 = vector.shape_cast %get3A_14 : vector<1x128x256xf32> to vector<128x256xf32>
    %dot_general3A_16 = arith.constant dense<0.000000e+00> : vector<1024x256xf32>
    %dot_general3A_17 = tpu.matmul %get3A_10, %get3A_15, %dot_general3A_16 {dimension_numbers = #tpu.dot_dimension_numbers<[1], [0], [0], [1], [0, 0, 1, 1], [], []>, transpose_lhs_hint = false} : vector<1024x128xf32>, vector<128x256xf32>, vector<1024x256xf32> -> vector<1024x256xf32>
    %add3A = arith.addf %dot_general3A_5, %dot_general3A_17 : vector<1024x256xf32>
    %get3A_18 = arith.constant 1 : index
    %get3A_19 = arith.constant 0 : index
    %get3A_20 = arith.constant 0 : index
    %get3A_21 = vector.load %arg2[%get3A_18, %get3A_19, %get3A_20] : memref<4x1024x128xf32, #tpu.memory_space<vmem>>, vector<1x1024x128xf32>
    %get3A_22 = vector.shape_cast %get3A_21 : vector<1x1024x128xf32> to vector<1024x128xf32>
    %get3A_23 = arith.constant 1 : index
    %get3A_24 = arith.constant 0 : index
    %get3A_25 = arith.constant 0 : index
    %get3A_26 = vector.load %arg4[%get3A_23, %get3A_24, %get3A_25] : memref<4x128x256xf32, #tpu.memory_space<vmem>>, vector<1x128x256xf32>
    %get3A_27 = vector.shape_cast %get3A_26 : vector<1x128x256xf32> to vector<128x256xf32>
    %dot_general3A_28 = arith.constant dense<0.000000e+00> : vector<1024x256xf32>
    %dot_general3A_29 = tpu.matmul %get3A_22, %get3A_27, %dot_general3A_28 {dimension_numbers = #tpu.dot_dimension_numbers<[1], [0], [0], [1], [0, 0, 1, 1], [], []>, transpose_lhs_hint = false} : vector<1024x128xf32>, vector<128x256xf32>, vector<1024x256xf32> -> vector<1024x256xf32>
    %add3A_30 = arith.addf %add3A, %dot_general3A_29 : vector<1024x256xf32>
    %get3A_31 = arith.constant 2 : index
    %get3A_32 = arith.constant 0 : index
    %get3A_33 = arith.constant 0 : index
    %get3A_34 = vector.load %arg2[%get3A_31, %get3A_32, %get3A_33] : memref<4x1024x128xf32, #tpu.memory_space<vmem>>, vector<1x1024x128xf32>
    %get3A_35 = vector.shape_cast %get3A_34 : vector<1x1024x128xf32> to vector<1024x128xf32>
    %get3A_36 = arith.constant 2 : index
    %get3A_37 = arith.constant 0 : index
    %get3A_38 = arith.constant 0 : index
    %get3A_39 = vector.load %arg4[%get3A_36, %get3A_37, %get3A_38] : memref<4x128x256xf32, #tpu.memory_space<vmem>>, vector<1x128x256xf32>
    %get3A_40 = vector.shape_cast %get3A_39 : vector<1x128x256xf32> to vector<128x256xf32>
    %dot_general3A_41 = arith.constant dense<0.000000e+00> : vector<1024x256xf32>
    %dot_general3A_42 = tpu.matmul %get3A_35, %get3A_40, %dot_general3A_41 {dimension_numbers = #tpu.dot_dimension_numbers<[1], [0], [0], [1], [0, 0, 1, 1], [], []>, transpose_lhs_hint = false} : vector<1024x128xf32>, vector<128x256xf32>, vector<1024x256xf32> -> vector<1024x256xf32>
    %add3A_43 = arith.addf %add3A_30, %dot_general3A_42 : vector<1024x256xf32>
    %get3A_44 = arith.constant 3 : index
    %get3A_45 = arith.constant 0 : index
    %get3A_46 = arith.constant 0 : index
    %get3A_47 = vector.load %arg2[%get3A_44, %get3A_45, %get3A_46] : memref<4x1024x128xf32, #tpu.memory_space<vmem>>, vector<1x1024x128xf32>
    %get3A_48 = vector.shape_cast %get3A_47 : vector<1x1024x128xf32> to vector<1024x128xf32>
    %get3A_49 = arith.constant 3 : index
    %get3A_50 = arith.constant 0 : index
    %get3A_51 = arith.constant 0 : index
    %get3A_52 = vector.load %arg4[%get3A_49, %get3A_50, %get3A_51] : memref<4x128x256xf32, #tpu.memory_space<vmem>>, vector<1x128x256xf32>
    %get3A_53 = vector.shape_cast %get3A_52 : vector<1x128x256xf32> to vector<128x256xf32>
    %dot_general3A_54 = arith.constant dense<0.000000e+00> : vector<1024x256xf32>
    %dot_general3A_55 = tpu.matmul %get3A_48, %get3A_53, %dot_general3A_54 {dimension_numbers = #tpu.dot_dimension_numbers<[1], [0], [0], [1], [0, 0, 1, 1], [], []>, transpose_lhs_hint = false} : vector<1024x128xf32>, vector<128x256xf32>, vector<1024x256xf32> -> vector<1024x256xf32>
    %add3A_56 = arith.addf %add3A_43, %dot_general3A_55 : vector<1024x256xf32>
    %get3A_57 = arith.constant 0 : index
    %get3A_58 = arith.constant 0 : index
    %get3A_59 = vector.load %arg5[%get3A_57, %get3A_58] : memref<1x256xf32, #tpu.memory_space<vmem>>, vector<1x256xf32>
    %add3A_60 = vector.broadcast %get3A_59 : vector<1x256xf32> to vector<1024x256xf32>
    %add3A_61 = arith.addf %add3A_56, %add3A_60 : vector<1024x256xf32>
    %tanh3A = math.tanh %add3A_61 : vector<1024x256xf32>
    %get3A_62 = arith.constant 0 : index
    %get3A_63 = arith.constant 0 : index
    %get3A_64 = vector.load %arg6[%get3A_62, %get3A_63] : memref<256x6xf32, #tpu.memory_space<vmem>>, vector<256x6xf32>
    %dot_general3A_65 = arith.constant dense<0.000000e+00> : vector<1024x6xf32>
    %dot_general3A_66 = tpu.matmul %tanh3A, %get3A_64, %dot_general3A_65 {dimension_numbers = #tpu.dot_dimension_numbers<[1], [0], [0], [1], [0, 0, 1, 1], [], []>, transpose_lhs_hint = false} : vector<1024x256xf32>, vector<256x6xf32>, vector<1024x6xf32> -> vector<1024x6xf32>
    %get3A_67 = arith.constant 0 : index
    %get3A_68 = arith.constant 0 : index
    %get3A_69 = vector.load %arg7[%get3A_67, %get3A_68] : memref<1x6xf32, #tpu.memory_space<vmem>>, vector<1x6xf32>
    %add3A_70 = vector.broadcast %get3A_69 : vector<1x6xf32> to vector<1024x6xf32>
    %add3A_71 = arith.addf %dot_general3A_66, %add3A_70 : vector<1024x6xf32>
    %swap3A = arith.constant 0 : index
    %swap3A_72 = arith.constant 0 : index
    %swap3A_73 = vector.load %arg8[%swap3A, %swap3A_72] : memref<1024x6xf32, #tpu.memory_space<vmem>>, vector<1024x6xf32>
    tpu.vector_store %arg8[%swap3A, %swap3A_72], %add3A_71 {strides = array<i32>} : memref<1024x6xf32, #tpu.memory_space<vmem>>, vector<1024x6xf32>,
    return
  }
  func.func @transform_0(%arg0: i32) -> (i32, i32) {
    %c0_i32 = arith.constant 0 : i32
    %c0_i32_0 = arith.constant 0 : i32
    return %arg0, %c0_i32 : i32, i32
  }
  func.func @transform_1(%arg0: i32) -> (i32, i32, i32) {
    %c0_i32 = arith.constant 0 : i32
    %c0_i32_0 = arith.constant 0 : i32
    %c0_i32_1 = arith.constant 0 : i32
    return %c0_i32, %arg0, %c0_i32_0 : i32, i32, i32
  }
  func.func @transform_2(%arg0: i32) -> (i32, i32) {
    %c0_i32 = arith.constant 0 : i32
    %c0_i32_0 = arith.constant 0 : i32
    %c0_i32_1 = arith.constant 0 : i32
    return %c0_i32, %c0_i32_0 : i32, i32
  }
  func.func @transform_3(%arg0: i32) -> (i32, i32, i32) {
    %c0_i32 = arith.constant 0 : i32
    %c0_i32_0 = arith.constant 0 : i32
    %c0_i32_1 = arith.constant 0 : i32
    %c0_i32_2 = arith.constant 0 : i32
    return %c0_i32, %c0_i32_0, %c0_i32_1 : i32, i32, i32
  }
  func.func @transform_4(%arg0: i32) -> (i32, i32) {
    %c0_i32 = arith.constant 0 : i32
    %c0_i32_0 = arith.constant 0 : i32
    %c0_i32_1 = arith.constant 0 : i32
    return %c0_i32, %c0_i32_0 : i32, i32
  }
  func.func @transform_5(%arg0: i32) -> (i32, i32) {
    %c0_i32 = arith.constant 0 : i32
    %c0_i32_0 = arith.constant 0 : i32
    %c0_i32_1 = arith.constant 0 : i32
    return %c0_i32, %c0_i32_0 : i32, i32
  }
  func.func @transform_6(%arg0: i32) -> (i32, i32) {
    %c0_i32 = arith.constant 0 : i32
    %c0_i32_0 = arith.constant 0 : i32
    %c0_i32_1 = arith.constant 0 : i32
    return %c0_i32, %c0_i32_0 : i32, i32
  }
  func.func @transform_7(%arg0: i32) -> (i32, i32) {
    %c0_i32 = arith.constant 0 : i32
    %c0_i32_0 = arith.constant 0 : i32
    return %arg0, %c0_i32 : i32, i32
  }
}

</mosaic_0001>

<sc_bundles>
// kernel: kernel.4.cloned.1.call-start
scs
__scs_entry_jumppad:
0x0: {  	(pc) =	sbr.rel $0x88, $3  }
0x1: {  	(tag) =	ssettag $0x0;
	lr =	simm.s32 $0x1  }
0x2: {  	[smem:$0x3F9A] =	sst lr;
	_ =	strace $0xD0000000  }
0x3: {  	_ = 	snop  }
0x4: {  	_ = 	snop  }
0x5: {  	_ = 	snop  }
0x6: {  	_ = 	snop  }
0x7: {  	_ = 	snop  }
__scs_overlays_trampoline_lowered:
0x8: {  	[smem:$0x3FA9] =	sst s0  }
0x9: {  	[smem:$0x3FAA] =	sst s1  }
0xa: {  	[smem:$0x3FAB] =	sst s2  }
0xb: {  	[smem:$0x3FAC] =	sst s3  }
0xc: {  	[smem:$0x3FAD] =	sst s4  }
0xd: {  	[smem:$0x3FAE] =	sst s5  }
0xe: {  	[smem:$0x3FAF] =	sst s6  }
0xf: {  	[smem:$0x3FB0] =	sst s7  }
0x10: {  	[smem:$0x3FB1] =	sst s8  }
0x11: {  	[smem:$0x3FB2] =	sst s9;
	s0 =	simm.s32 @!p0 $0x0  }
0x12: {  	s1 =	sld [smem:$0x3F98];
	s0 =	simm.s32 @p0 $0x1  }
0x13: {  	[smem:$0x3FB3] =	sst s0;
	s0 =	simm.s32 @!p1 $0x0  }
0x14: {  	s2 =	sld [smem:$0x3F97];
	s0 =	simm.s32 @p1 $0x1  }
0x15: {  	[smem:$0x3FB4] =	sst s0;
	s0 =	simm.s32 @!p2 $0x0  }
0x16: {  	s3 =	sld [smem:$0x3FDB];
	s0 =	simm.s32 @p2 $0x1  }
0x17: {  	s4 =	simm.s32 $0x1BF5;
	[smem:$0x3FB6] =	sst s0  }
0x18: {  	s0 =	sld [smem:$0x3F99];
	_ =	swait.ge [sflag:s4], $0x0  }
0x19: {  	s7 =	sld [smem:$0x3F9A]  }
0x1a: {  	s8 =	sadd.s32 $0xFFFFE003, lr  }
0x1b: {  	s9 =	sadd.s32 $0xFFFFFEF7, lr;
	s5 =	simm.s32 $0xFFFFFFFF;
	p2 =	slt.u32 s8, $0xFFFFF086  }
0x1c: {  	p1 =	slt.u32 s9, $0xF7A;
	s5 =	simm.s32 @!p2 $0x0  }
0x1d: {  	s5 =	simm.s32 @p1 $0x1;
	p0 =	seq.s32 s7, s2  }
0x1e: {  	s7 =	smul.u32 @!p0 $0xF7A, s2;
	p2 =	seq.s32 @!p0 s5, $0x0  }
0x1f: {  	s9 =	smul.u32 $0xF7A, s1;
	s8 =	simm.s32 @!p0 $0x1BF5;
	p2 =	por !p2, p0  }
0x20: {  	[sflag:s8] =	ssyncset.s32 @!p0 $0xFFFFF086;
	s6 =	sadd.s32 @!p0 s3, s7;
	s7 =	simm.s32 @!p0 $0x108  }
0x21: {  	s3 =	sadd.s32 s3, s9;
	s6 =	sadd.s32 @!p0 $0x88, s6;
	s7 =	simm.s32 @p2 $0x1082  }
0x22: {  	[simem:s7], [sflag:s8] =	dma.local @!p0 [hbm:s6], $0xF7A  }
0x23: {  	s9 =	sor.u32 $0xD0000000, s2;
	s6 =	simm.s32 $0x108;
	_ =	swait.ge @!p0 [sflag:s8], $0x0  }
0x24: {  	s3 =	sadd.s32 $0x88, s3;
	s6 =	simm.s32 @!p1 $0x1082;
	[sflag:s4] =	ssyncset.s32 $0xFFFFF086  }
0x25: {  	[simem:s6], [sflag:s4] =	dma.local [hbm:s3], $0xF7A  }
0x26: {  	[smem:$0x3F9A] =	sst s1;
	(tag) =	ssettag s2;
	_ =	strace s9  }
0x27: {  	s1 =	sld [smem:$0x3FAA]  }
0x28: {  	s2 =	sld [smem:$0x3FAB]  }
0x29: {  	s4 =	sld [smem:$0x3FAD]  }
0x2a: {  	p0 =	seq.s32 s5, $0x0;
	s5 =	sld [smem:$0x3FAE]  }
0x2b: {  	s6 =	sld [smem:$0x3FAF]  }
0x2c: {  	s7 =	sld [smem:$0x3FB0]  }
0x2d: {  	s3 =	simm.s32 $0x108;
	s8 =	sld [smem:$0x3FB1]  }
0x2e: {  	s3 =	simm.s32 @!p0 $0x1082;
	s9 =	sld [smem:$0x3FB2]  }
0x2f: {  	lr =	sadd.s32 s0, s3;
	s0 =	sld [smem:$0x3FA9]  }
0x30: {  	s3 =	sld [smem:$0x3FAC]  }
0x31: {  	[smem:$0x3FB5] =	sst s10  }
0x32: {  	s10 =	sld [smem:$0x3FB3];
	_ =	sdelay $0x3  }
0x33: {  	p0 =	seq.s32 s10, $0x1;
	s10 =	sld [smem:$0x3FB5];
	_ =	sdelay $0x3  }
0x34: {  	[smem:$0x3FB5] =	sst s10  }
0x35: {  	s10 =	sld [smem:$0x3FB4];
	_ =	sdelay $0x3  }
0x36: {  	p1 =	seq.s32 s10, $0x1;
	s10 =	sld [smem:$0x3FB5];
	_ =	sdelay $0x3  }
0x37: {  	[smem:$0x3FB5] =	sst s10  }
0x38: {  	s10 =	sld [smem:$0x3FB6]  }
0x39: {  	_ = 	snop;
	(pc) =	sbr.ind lr, $3  }
0x3a: {  	_ = 	snop  }
0x3b: {  	_ = 	snop  }
0x3c: {  	p2 =	seq.s32 s10, $0x1;
	s10 =	sld [smem:$0x3FB5]  }
0x3d: {  	_ =	shalt  }
0x3e: {  	_ =	shalt  }
0x3f: {  	_ =	shalt  }
0x40: {  	_ =	shalt  }
0x41: {  	_ =	shalt  }
0x42: {  	_ =	shalt  }
0x43: {  	_ =	shalt  }
0x44: {  	_ =	shalt  }
0x45: {  	_ =	shalt  }
0x46: {  	_ =	shalt  }
0x47: {  	_ =	shalt  }
0x48: {  	_ =	shalt  }
0x49: {  	_ =	shalt  }
0x4a: {  	_ =	shalt  }
0x4b: {  	_ =	shalt  }
0x4c: {  	_ =	shalt  }
0x4d: {  	_ =	shalt  }
0x4e: {  	_ =	shalt  }
0x4f: {  	_ =	shalt  }
0x50: {  	_ =	shalt  }
0x51: {  	_ =	shalt  }
0x52: {  	_ =	shalt  }
0x53: {  	_ =	shalt  }
0x54: {  	_ =	shalt  }
0x55: {  	_ =	shalt  }
0x56: {  	_ =	shalt  }
0x57: {  	_ =	shalt  }
0x58: {  	_ =	shalt  }
0x59: {  	_ =	shalt  }
0x5a: {  	_ =	shalt  }
0x5b: {  	_ =	shalt  }
0x5c: {  	_ =	shalt  }
0x5d: {  	_ =	shalt  }
0x5e: {  	_ =	shalt  }
0x5f: {  	_ =	shalt  }
0x60: {  	_ =	shalt  }
0x61: {  	_ =	shalt  }
0x62: {  	_ =	shalt  }
0x63: {  	_ =	shalt  }
0x64: {  	_ =	shalt  }
0x65: {  	_ =	shalt  }
0x66: {  	_ =	shalt  }
0x67: {  	_ =	shalt  }
0x68: {  	_ =	shalt  }
0x69: {  	_ =	shalt  }
0x6a: {  	_ =	shalt  }
0x6b: {  	_ =	shalt  }
0x6c: {  	_ =	shalt  }
0x6d: {  	_ =	shalt  }
0x6e: {  	_ =	shalt  }
0x6f: {  	_ =	shalt  }
0x70: {  	_ =	shalt  }
0x71: {  	_ =	shalt  }
0x72: {  	_ =	shalt  }
0x73: {  	_ =	shalt  }
0x74: {  	_ =	shalt  }
0x75: {  	_ =	shalt  }
0x76: {  	_ =	shalt  }
0x77: {  	_ =	shalt  }
0x78: {  	_ =	shalt  }
0x79: {  	_ =	shalt  }
0x7a: {  	_ =	shalt  }
0x7b: {  	_ =	shalt  }
0x7c: {  	_ =	shalt  }
0x7d: {  	_ =	shalt  }
0x7e: {  	_ =	shalt  }
0x7f: {  	_ =	shalt  }
0x80: {  	_ =	shalt  }
0x81: {  	_ =	shalt  }
0x82: {  	_ =	shalt  }
0x83: {  	_ =	shalt  }
0x84: {  	_ =	shalt  }
0x85: {  	_ =	shalt  }
0x86: {  	_ =	shalt  }
0x87: {  	_ =	shalt  }
.Lfunc_end0:
.L_simem_size_0:
called_computation_lowered:
.L_overlay_start_0:
0x88: {  	s2 =	sld [smem:$0x3FD9]  }
0x89: {  	s3 =	sld [smem:$0x3FFE];
	_ =	sdelay $0x1  }
0x8a: {  	s1 =	srdreg.scid  }
0x8b: {  	s0 =	sand.u32 $0x1, s1  }
0x8c: {  	s16 =	sshll.u32 s0, $0xA;
	s2 =	sadd.s32 s3, s2  }
0x8d: {  	s2 =	sadd.s32 s2, s16  }
0x8e: {  	[smem:$0x3FC1] =	sst s2  }
0x8f: {  	_ = 	snop  }
0x90: {  	(tm) =	ssettm $0x1  }
0x91: {  	s17 =	sld [smem:$0x3FFB];
	_ =	sdelay $0x3  }
0x92: {  	_ =	strace s17  }
0x93: {  	s2 =	sld [smem:$0x3FFC];
	_ =	sdelay $0x3  }
0x94: {  	_ =	strace s2  }
0x95: {  	s2 =	sld [smem:$0x3FFD];
	_ =	sdelay $0x3  }
0x96: {  	_ =	strace s2  }
0x97: {  	_ =	strace $0x8FFFFFFF  }
0x98: {  	s18 =	sld [smem:$0x3FDB];
	_ =	sdelay $0x1  }
0x99: {  	s19 =	simm.s32 $_scs_section_size  }
0x9a: {  	s4 =	simm.s32 $_size__tile_overlayer_lowered;
	s5 =	simm.s32 $_tile_overlayer_lowered  }
0x9b: {  	s22 =	simm.s32 $0x1BFF;
	s21 =	sshll.u32 s5, $0x1;
	s2 =	sadd.s32 s19, s18  }
0x9c: {  	s6 =	simm.s32 $0x0;
	s20 =	sshll.u32 s4, $0x1;
	s4 =	sadd.s32 s21, s2  }
0x9d: {  	[timem:s6], [sflag:s22] =	dma.local [hbm:s4], s20  }
0x9e: {  	_ =	swait.ge [sflag:s22], s20  }
0x9f: {  	s3 =	ssub.s32 $0x0, s20;
	[sflag:s22] =	ssyncset.done $0x0  }
0xa0: {  	[sflag:s22] =	ssyncadd.s32 s3;
	_ =	sdelay $0x1  }
0xa1: {  	s23 =	simm.s32 $0x1B8B  }
0xa2: {  	_ =	swait.ge [sflag:s23], $0x1  }
0xa3: {  	[sflag:s23] =	ssyncset.done $0x0  }
0xa4: {  	s25 =	simm.s32 $0x1B8E;
	s24 =	sld [smem:$0x3FFE];
	[sflag:s23] =	ssyncadd.s32 $0xFFFFFFFF  }
0xa5: {  	s26 =	simm.s32 $execute0_lowered;
	[smem:$0x3FD2] =	sst s25  }
0xa6: {  	s4 =	sshll.u32 s26, $0x1;
	_ =	strace $0x80000046;
	[dreg:$0x1] =	wrdreg $0xFFFFFFFF  }
0xa7: {  	s28 =	simm.s32 $_size_execute0_lowered;
	s2 =	sadd.s32 s2, s4;
	[dreg:$0x0] =	wrdreg $0x0  }
0xa8: {  	s4 =	sshll.u32 s28, $0x1;
	[dreg:$0x2] =	wrdreg s2  }
0xa9: {  	[dreg:$0x3] =	wrdreg s4  }
0xaa: {  	[dreg:$0x4] =	wrdreg $0xC0  }
0xab: {  	_ =	task [dreg:s6], $0x5FFFF  }
0xac: {  	[dreg:$0x1] =	wrdreg $0xFFFFFFFF  }
0xad: {  	[dreg:$0x0] =	wrdreg $0x60  }
0xae: {  	[dreg:$0x2] =	wrdreg s24  }
0xaf: {  	[dreg:$0x3] =	wrdreg $0x9  }
0xb0: {  	_ =	task.clear_ibuf [dreg:s6], $0x4FFFF;
	_ =	strace $0x90000046  }
0xb1: {  	s29 =	simm.s32 $0x9;
	_ =	strace $0x80000048  }
0xb2: {  	_ =	swait.ge [sflag:s29], $0x1  }
0xb3: {  	[sflag:s29] =	ssyncadd.s32 $0xFFFFFFFF  }
0xb4: {  	_ =	strace $0x90000048  }
0xb5: {  	_ =	sfence  }
0xb6: {  	s30 =	sld [smem:$0x0];
	_ =	sdelay $0x2  }
0xb7: {  	s31 =	sshll.u32 s1, $0xD;
	s1 =	sshrl.u32 s1, $0x2  }
0xb8: {  	s3 =	sand.u32 $0x4000, s31;
	s1 =	sadd.s32 s1, s30  }
0xb9: {  	s0 =	sor.u32 s3, s0;
	s1 =	sshll.u32 s1, $0x11  }
0xba: {  	s0 =	sor.u32 s1, s0  }
0xbb: {  	s0 =	sadd.s32 $0x8F2B, s0  }
0xbc: {  	[sflag:s0] =	ssyncadd.remote.s32 $0x1  }
0xbd: {  	_ =	sfence.sel $0xFFFF  }
0xbe: {  	[dreg:$0x0] =	wrdreg $0xFFFFFFFF;
	(pc) =	sbr.abs _section_cstart, $3  }
0xbf: {  	[dreg:$0x1] =	wrdreg $0xFFFFFFFF  }
0xc0: {  	_ =	task.clear_ibuf [dreg:s6], $0x2FFFF;
	_ =	strace $0x9FFFFFFF  }
0xc1: {  	(tm) =	ssettm $0x7FFFFFFF  }
tec
execute0_lowered:
.L_overlay_start_1:
0x0: {  	(tag) =	ssettag $0x1  }
0x1: {  	s1 =	srdreg.scid  }
0x2: {  	s0 =	stileid.u32;
	s13 =	sand.u32 $0x1, s1  }
0x3: {  	s31 =	sshll.u32 s0, $0xF;
	s2 =	sshll.u32 s13, $0xE  }
0x4: {  	s9 =	rddreg [dreg:$0x0];
	s10 =	sor.u32 s2, s31  }
0x5: {  	s1 =	rddreg [dreg:$0x1];
	s2 =	simm.s32 $0x0;
	s3 =	sshrl.u32 s10, $0x3  }
0x6: {  	[smem:$0x7FF] =	sst s2;
	s3 =	sadd.s32 s3, s9  }
0x7: {  	_ =	strace $0x80000047;
	s4 =	sadd.s32 $0x101000, s3;
	s3 =	simm.s32 $0x2  }
0x8: {  	[tilespmem:s2], [sflag:$0x2] =	stream.linear.gather [hbm4b:s4+s2], $0x4000, $0x38;
	[tilespmem:$0x14000] =	vst v63  }
0x9: {  	_ =	swait.ge [sflag:s3], $0x4000  }
0xa: {  	s6 =	simm.s32 $0x1000;
	s7 =	simm.s32 $0x4000;
	[sflag:s3] =	ssyncset.done $0x0  }
0xb: {  	s8 =	simm.s32 $0x1;
	s5 =	sadd.s32 $0xF43400, s9;
	[sflag:s3] =	ssyncadd.s32 $0xFFFFC000  }
0xc: {  	[tilespmem:s7], [sflag:$0x1] =	stream.indirect.gather [hbm4b:s5+s6], $0x10, s2, s6, $0xb8;
	[tilespmem:$0x14000] =	vst v63  }
0xd: {  	s10 =	sshll.u32 s10, $0x1;
	_ =	swait.ge [sflag:s8], $0x10000  }
0xe: {  	s14 =	sadd.s32 s10, s9;
	[sflag:s8] =	ssyncset.done $0x0  }
0xf: {  	s9 =	sadd.s32 $0x1000, s14;
	[sflag:s8] =	ssyncadd.s32 $0xFFFF0000  }
0x10: {  	[hbm4b:s9+s2] =	stream.linear.scatter [tilespmem:s7], [sflag:$0x2], $0x10000, $0x38;
	[tilespmem:$0x14000] =	vst v63  }
0x11: {  	_ =	swait.ge [sflag:s3], $0x10000  }
0x12: {  	[sflag:s3] =	ssyncset.done $0x0  }
0x13: {  	[sflag:s3] =	ssyncadd.s32 $0xFFFF0000  }
0x14: {  	[tilespmem:s7], [sflag:$0x1] =	stream.indirect.gather [hbm4b:s5+s6], $0x10, s6, s6, $0xb8;
	[tilespmem:$0x14000] =	vst v63  }
0x15: {  	_ =	swait.ge [sflag:s8], $0x10000  }
0x16: {  	[sflag:s8] =	ssyncset.done $0x0  }
0x17: {  	s10 =	sadd.s32 $0x3000, s14;
	[sflag:s8] =	ssyncadd.s32 $0xFFFF0000  }
0x18: {  	[hbm4b:s10+s2] =	stream.linear.scatter [tilespmem:s7], [sflag:$0x2], $0x10000, $0x38;
	[tilespmem:$0x14000] =	vst v63  }
0x19: {  	_ =	swait.ge [sflag:s3], $0x10000  }
0x1a: {  	[sflag:s3] =	ssyncset.done $0x0  }
0x1b: {  	s11 =	simm.s32 $0x2000;
	[sflag:s3] =	ssyncadd.s32 $0xFFFF0000  }
0x1c: {  	[tilespmem:s7], [sflag:$0x1] =	stream.indirect.gather [hbm4b:s5+s6], $0x10, s11, s6, $0xb8;
	[tilespmem:$0x14000] =	vst v63  }
0x1d: {  	_ =	swait.ge [sflag:s8], $0x10000  }
0x1e: {  	[sflag:s8] =	ssyncset.done $0x0  }
0x1f: {  	s15 =	ssub.s32 $0x2, s13;
	s12 =	sadd.s32 $0x5000, s14;
	[sflag:s8] =	ssyncadd.s32 $0xFFFF0000  }
0x20: {  	[hbm4b:s12+s2] =	stream.linear.scatter [tilespmem:s7], [sflag:$0x2], $0x10000, $0x38;
	[tilespmem:$0x14000] =	vst v63  }
0x21: {  	s16 =	sshrl.u32 s15, $0x1;
	_ =	swait.ge [sflag:s3], $0x10000  }
0x22: {  	s15 =	ssub.s32 s15, s16;
	[sflag:s3] =	ssyncset.done $0x0  }
0x23: {  	s13 =	simm.s32 $0x3000;
	s15 =	smax.u32 s15, $0x1;
	[sflag:s3] =	ssyncadd.s32 $0xFFFF0000  }
0x24: {  	[tilespmem:s7], [sflag:$0x1] =	stream.indirect.gather [hbm4b:s5+s6], $0x10, s13, s6, $0xb8;
	[tilespmem:$0x14000] =	vst v63  }
0x25: {  	p0 =	sne.s32 s15, $0x1;
	_ =	swait.ge [sflag:s8], $0x10000  }
.Ltmp0:
0x26: {  	[sflag:s8] =	ssyncset.done $0x0;
	(pc) =	sbr.rel @!p0 .LBB2_2-.Ltmp0, $4  }
0x27: {  	s14 =	sadd.s32 $0x7000, s14;
	[sflag:s8] =	ssyncadd.s32 $0xFFFF0000  }
0x28: {  	[hbm4b:s14+s2] =	stream.linear.scatter [tilespmem:s7], [sflag:$0x2], $0x10000, $0x38;
	[tilespmem:$0x14000] =	vst v63  }
0x29: {  	_ =	swait.ge [sflag:s3], $0x10000  }
0x2a: {  	s15 =	sadd.s32 $0xFFFFFFFF, s15;
	[sflag:s3] =	ssyncset.done $0x0  }
.LBB2_1:
0x2b: {  	p0 =	sne.s32 s15, $0x1;
	s15 =	sadd.s32 $0xFFFFFFFF, s15;
	[sflag:s3] =	ssyncadd.s32 $0xFFFF0000  }
0x2c: {  	[tilespmem:s2], [sflag:$0x2] =	stream.linear.gather [hbm4b:s4+s2], $0x4000, $0x38;
	[tilespmem:$0x14000] =	vst v63  }
0x2d: {  	_ =	swait.ge [sflag:s3], $0x4000  }
0x2e: {  	[sflag:s3] =	ssyncset.done $0x0  }
0x2f: {  	[sflag:s3] =	ssyncadd.s32 $0xFFFFC000  }
0x30: {  	[tilespmem:s7], [sflag:$0x1] =	stream.indirect.gather [hbm4b:s5+s6], $0x10, s2, s6, $0xb8;
	[tilespmem:$0x14000] =	vst v63  }
0x31: {  	_ =	swait.ge [sflag:s8], $0x10000  }
0x32: {  	[sflag:s8] =	ssyncset.done $0x0  }
0x33: {  	[sflag:s8] =	ssyncadd.s32 $0xFFFF0000  }
0x34: {  	[hbm4b:s9+s2] =	stream.linear.scatter [tilespmem:s7], [sflag:$0x2], $0x10000, $0x38;
	[tilespmem:$0x14000] =	vst v63  }
0x35: {  	_ =	swait.ge [sflag:s3], $0x10000  }
0x36: {  	[sflag:s3] =	ssyncset.done $0x0  }
0x37: {  	[sflag:s3] =	ssyncadd.s32 $0xFFFF0000  }
0x38: {  	[tilespmem:s7], [sflag:$0x1] =	stream.indirect.gather [hbm4b:s5+s6], $0x10, s6, s6, $0xb8;
	[tilespmem:$0x14000] =	vst v63  }
0x39: {  	_ =	swait.ge [sflag:s8], $0x10000  }
0x3a: {  	[sflag:s8] =	ssyncset.done $0x0  }
0x3b: {  	[sflag:s8] =	ssyncadd.s32 $0xFFFF0000  }
0x3c: {  	[hbm4b:s10+s2] =	stream.linear.scatter [tilespmem:s7], [sflag:$0x2], $0x10000, $0x38;
	[tilespmem:$0x14000] =	vst v63  }
0x3d: {  	_ =	swait.ge [sflag:s3], $0x10000  }
0x3e: {  	[sflag:s3] =	ssyncset.done $0x0  }
0x3f: {  	[sflag:s3] =	ssyncadd.s32 $0xFFFF0000  }
0x40: {  	[tilespmem:s7], [sflag:$0x1] =	stream.indirect.gather [hbm4b:s5+s6], $0x10, s11, s6, $0xb8;
	[tilespmem:$0x14000] =	vst v63  }
0x41: {  	_ =	swait.ge [sflag:s8], $0x10000  }
0x42: {  	[sflag:s8] =	ssyncset.done $0x0  }
0x43: {  	[sflag:s8] =	ssyncadd.s32 $0xFFFF0000  }
0x44: {  	[hbm4b:s12+s2] =	stream.linear.scatter [tilespmem:s7], [sflag:$0x2], $0x10000, $0x38;
	[tilespmem:$0x14000] =	vst v63  }
0x45: {  	_ =	swait.ge [sflag:s3], $0x10000  }
0x46: {  	[sflag:s3] =	ssyncset.done $0x0  }
0x47: {  	[sflag:s3] =	ssyncadd.s32 $0xFFFF0000  }
0x48: {  	[tilespmem:s7], [sflag:$0x1] =	stream.indirect.gather [hbm4b:s5+s6], $0x10, s13, s6, $0xb8;
	[tilespmem:$0x14000] =	vst v63  }
0x49: {  	_ =	swait.ge [sflag:s8], $0x10000  }
.Ltmp1:
0x4a: {  	[sflag:s8] =	ssyncset.done $0x0;
	(pc) =	sbr.rel @p0 .LBB2_1-.Ltmp1, $4  }
0x4b: {  	[sflag:s8] =	ssyncadd.s32 $0xFFFF0000  }
0x4c: {  	[hbm4b:s14+s2] =	stream.linear.scatter [tilespmem:s7], [sflag:$0x2], $0x10000, $0x38;
	[tilespmem:$0x14000] =	vst v63  }
0x4d: {  	_ =	swait.ge [sflag:s3], $0x10000  }
0x4e: {  	[sflag:s3] =	ssyncset.done $0x0  }
.LBB2_2:
0x4f: {  	[sflag:s3] =	ssyncadd.s32 $0xFFFF0000  }
0x50: {  	_ =	sfence.sel $0x180000  }
0x51: {  	[bflag:$0x0] =	sbarrier.arrive $0xFFFF  }
0x52: {  	p0 =	sne.s32 s0, $0x0;
	_ =	strace $0x90000047  }
0x53: {  	s0 =	sadd.s32 @!p0 $0x100000, s1;
	[bflag:$0x2] =	sbarrier.arrive $0xFFFF  }
0x54: {  	[sflag:s0] =	ssyncadd.tile.s32 @!p0 $0x1;
	_ =	shalt  }
.Lfunc_end2:
_tile_overlayer_lowered:
.L_overlay_start_2:
0x55: {  	(tag) =	ssettag $0x2  }
0x56: {  	s0 =	rddreg [dreg:$0x0];
	s2 =	stileid.u32  }
0x57: {  	s1 =	rddreg [dreg:$0x1];
	p0 =	sne.s32 s2, $0x0  }
0x58: {  	s3 =	rddreg [dreg:$0x2];
	[bflag:$0x3] =	sbarrier.arrive $0xFFFF;
	s2 =	simm.s32 @!p0 $0x1C02  }
0x59: {  	[timem:s3], [sflag:s2] =	dma.local @!p0 [hbm:s0], s1  }
0x5a: {  	s0 =	simm.s32 @!p0 $0x2  }
0x5b: {  	_ =	swait.ge @!p0 [sflag:s0], s1  }
0x5c: {  	s1 =	ssub.s32 @!p0 $0x0, s1;
	[sflag:s0] =	ssyncset.done @!p0 $0x0  }
0x5d: {  	[sflag:s0] =	ssyncadd.s32 @!p0 s1  }
0x5e: {  	[bflag:$0x3] =	sbarrier.arrive $0xFFFF  }
0x5f: {  	_ =	shalt  }

</sc_bundles>
